<compile_context>
chip_gen: v7x
topology: tpu7x:2x2x1
jax: 0.10.2.dev20260603
libtpu: 0.0.44.dev20260713+nightly
codegen_flags: <defaults>
</compile_context>

<pallas_src>
import functools

import jax
import jax.numpy as jnp
from jax import lax
from jax.experimental import pallas as pl
from jax.experimental.pallas import tpu as pltpu
from jax.experimental.pallas import tpu_sc as plsc

_NC = 2
_NS = 16
_NW = _NC * _NS

_B = 16384
_V = 1000
_D = 64
_DP = 128
_BPW = _B // _NW
_CHUNK = 128
_NCHUNK = _BPW // _CHUNK

_BLK = 4096


def _gather_kernel(idx_hbm, table_hbm, inter_hbm, idx_v, rows_v, tbl_sh, sem, sem_out):
    sid = lax.axis_index("s")
    wid = sid * _NC + lax.axis_index("c")
    base = wid * _BPW

    @pl.when(sid == 0)
    def _():
        pltpu.sync_copy(table_hbm, tbl_sh)

    pltpu.sync_copy(idx_hbm.at[wid], idx_v)
    plsc.subcore_barrier()

    gathers = [
        pltpu.async_copy(
            tbl_sh.at[idx_v.at[c]],
            rows_v.at[pl.ds(c * _CHUNK, _CHUNK)],
            sem,
        )
        for c in range(_NCHUNK)
    ]
    writes = []
    for c in range(_NCHUNK):
        gathers[c].wait()
        writes.append(
            pltpu.async_copy(
                rows_v.at[pl.ds(c * _CHUNK, _CHUNK)],
                inter_hbm.at[pl.ds(base + c * _CHUNK, _CHUNK)].at[:, pl.ds(0, _D)],
                sem_out,
            )
        )
    for wcp in writes:
        wcp.wait()


def _gather_run(idx3, table):
    mesh = plsc.VectorSubcoreMesh(core_axis_name="c", subcore_axis_name="s")
    f = functools.partial(
        pl.kernel,
        mesh=mesh,
        out_type=jax.ShapeDtypeStruct((_B, _DP), jnp.float32),
        compiler_params=pltpu.CompilerParams(
            needs_layout_passes=False, use_tc_tiling_on_sc=False
        ),
        scratch_types=[
            pltpu.VMEM((_NCHUNK, _CHUNK), jnp.int32),
            pltpu.VMEM((_BPW, _D), jnp.float32),
            pltpu.VMEM_SHARED((_V, _D), jnp.float32),
            pltpu.SemaphoreType.DMA,
            pltpu.SemaphoreType.DMA,
        ],
    )(_gather_kernel)
    return f(idx3, table)


def _tc_ln_kernel(x_ref, w_ref, b_ref, o_ref):
    x = x_ref[:, : _D]
    mean = jnp.mean(x, axis=-1, keepdims=True)
    var = jnp.mean((x - mean) ** 2, axis=-1, keepdims=True)
    xhat = (x - mean) * lax.rsqrt(var + jnp.float32(1e-5))
    o_ref[...] = (xhat * w_ref[...] + b_ref[...]).T


def _ln_run(inter, w2d, b2d):
    out_t = pl.pallas_call(
        _tc_ln_kernel,
        grid=(_B // _BLK,),
        in_specs=[
            pl.BlockSpec((_BLK, _DP), lambda i: (i, 0)),
            pl.BlockSpec((1, _D), lambda i: (0, 0)),
            pl.BlockSpec((1, _D), lambda i: (0, 0)),
        ],
        out_specs=pl.BlockSpec((_D, _BLK), lambda i: (0, i)),
        out_shape=jax.ShapeDtypeStruct((_D, _B), jnp.float32),
    )(inter, w2d, b2d)
    return jnp.transpose(out_t)


@jax.jit
def kernel(intent_id, table, ln_weight, ln_bias):
    idx3 = intent_id.astype(jnp.int32).reshape(_NW, _NCHUNK, _CHUNK)
    inter = _gather_run(idx3, table)
    return _ln_run(inter, ln_weight.reshape(1, _D), ln_bias.reshape(1, _D))

# --- scband reference (transcript-rebuilt; emitter-appended) ---
"""Pipeline reference for scband-simple-intent-embedding-29386166239495 (READ-ONLY COPY).

The authoritative reference and input builder live on the scoring server;
editing this copy changes nothing except your own understanding.
"""

import jax, jax.numpy as jnp
import numpy as np

NUM_INTENTS = 1000
INTENT_DIM = 64
BATCH = 16384

def setup_inputs(seed: int = 0) -> dict:
    key = jax.random.key(seed)
    k1, k2 = jax.random.split(key)
    intent_id = jax.random.randint(k1, (BATCH,), 0, NUM_INTENTS, dtype=jnp.int64 if jax.config.jax_enable_x64 else jnp.int32)
    # embedding table initialized N(0, 0.02) like nn.init.normal_(std=0.02)
    table = jax.random.normal(k2, (NUM_INTENTS, INTENT_DIM), dtype=jnp.float32) * 0.02
    # LayerNorm learned affine params (PyTorch defaults: weight=1, bias=0)
    ln_weight = jnp.ones((INTENT_DIM,), dtype=jnp.float32)
    ln_bias = jnp.zeros((INTENT_DIM,), dtype=jnp.float32)
    return {"intent_id": intent_id, "table": table, "ln_weight": ln_weight, "ln_bias": ln_bias}

def _layer_norm(x, weight, bias, eps=1e-5):
    mean = jnp.mean(x, axis=-1, keepdims=True)
    var = jnp.mean((x - mean) ** 2, axis=-1, keepdims=True)
    xhat = (x - mean) / jnp.sqrt(var + eps)
    return xhat * weight + bias

def reference(intent_id, table, ln_weight, ln_bias):
    # embedding lookup (gather) -> maps to SparseCore
    embeddings = jnp.take(table, intent_id, axis=0)
    # LayerNorm over last dim, eps=1e-5 (PyTorch default)
    out = _layer_norm(embeddings, ln_weight, ln_bias)
    return out

if __name__ == "__main__":
    import jax
    _d = setup_inputs()
    print(jax.jit(kernel)(*tuple(_d.values())))

</pallas_src>

<mosaic_0001>
#map = affine_map<(d0, d1) -> (0, 0, 0)>
#map1 = affine_map<(d0, d1) -> (0, 0)>
module attributes {stable_mosaic.version = 14 : i64} {
  func.func @_gather_kernel(%arg0: i32, %arg1: i32, %arg2: memref<32x4x128xi32, #tpu.memory_space<hbm>>, %arg3: memref<1000x64xf32, #tpu.memory_space<hbm>>, %arg4: memref<16384x128xf32, #tpu.memory_space<hbm>>, %arg5: memref<4x128xi32, #tpu.memory_space<vmem>>, %arg6: memref<512x64xf32, #tpu.memory_space<vmem>>, %arg7: memref<1000x64xf32, #tpu.memory_space<vmem_shared>>, %arg8: memref<!tpu.dma_semaphore, #tpu.memory_space<semaphore_mem>>, %arg9: memref<!tpu.dma_semaphore, #tpu.memory_space<semaphore_mem>>) attributes {dimension_semantics = [#tpu.dimension_semantics<core_parallel>, #tpu.dimension_semantics<subcore_parallel>], iteration_bounds = array<i64: 2, 16>, scalar_prefetch = 0 : i64, scratch_operands = 5 : i64, tpu.core_type = #tpu.core_type<sc_vector_subcore>, window_params = [{transform_indices = #map}, {transform_indices = #map1}, {transform_indices = #map1}]} {
    %mul3A = arith.constant 2 : i32
    %mul3A_0 = arith.muli %arg1, %mul3A : i32
    %add3A = arith.addi %mul3A_0, %arg0 : i32
    %mul3A_1 = arith.constant 512 : i32
    %mul3A_2 = arith.muli %add3A, %mul3A_1 : i32
    %eq3A = arith.constant 0 : i32
    %eq3A_3 = arith.cmpi eq, %arg1, %eq3A : i32
    %convert_element_type3A = arith.extui %eq3A_3 : i1 to i32
    %cond3A = arith.constant 0 : i32
    %cond3A_4 = arith.cmpi ne, %convert_element_type3A, %cond3A : i32
    scf.if %cond3A_4 {
      "tpu.region"() ({
        %run_scoped3A = tpu.sem_alloc : memref<!tpu.dma_semaphore, #tpu.memory_space<semaphore_mem>>
        tpu.enqueue_dma source(%arg3 : memref<1000x64xf32, #tpu.memory_space<hbm>>) target(%arg7 : memref<1000x64xf32, #tpu.memory_space<vmem_shared>>) target_semaphore(%run_scoped3A : memref<!tpu.dma_semaphore, #tpu.memory_space<semaphore_mem>>)
        tpu.wait_dma2 semaphore(%run_scoped3A : memref<!tpu.dma_semaphore, #tpu.memory_space<semaphore_mem>>) src(%arg3 : memref<1000x64xf32, #tpu.memory_space<hbm>>) dst(%arg7 : memref<1000x64xf32, #tpu.memory_space<vmem_shared>>)
        tpu.yield
      }) : () -> ()
    } else {
    }
    "tpu.region"() ({
      %run_scoped3A = tpu.sem_alloc : memref<!tpu.dma_semaphore, #tpu.memory_space<semaphore_mem>>
      %dma_start3A_219 = arith.constant 0 : i32
      %dma_start3A_220 = arith.constant 0 : i32
      %dma_start3A_221 = tpu.memref_slice %arg2[%add3A, %dma_start3A_219, %dma_start3A_220] : memref<32x4x128xi32, #tpu.memory_space<hbm>> -> memref<1x4x128xi32, #tpu.memory_space<hbm>>
      %dma_start3A_222 = tpu.memref_squeeze %dma_start3A_221 : memref<1x4x128xi32, #tpu.memory_space<hbm>> -> memref<4x128xi32, #tpu.memory_space<hbm>>
      %dma_start3A_223 = arith.constant 0 : i32
      %dma_start3A_224 = arith.constant 0 : i32
      %dma_start3A_225 = tpu.memref_slice %arg2[%add3A, %dma_start3A_223, %dma_start3A_224] : memref<32x4x128xi32, #tpu.memory_space<hbm>> -> memref<1x4x128xi32, #tpu.memory_space<hbm>>
      %dma_start3A_226 = tpu.memref_squeeze %dma_start3A_225 : memref<1x4x128xi32, #tpu.memory_space<hbm>> -> memref<4x128xi32, #tpu.memory_space<hbm>>
      tpu.enqueue_dma source(%dma_start3A_226 : memref<4x128xi32, #tpu.memory_space<hbm>>) target(%arg5 : memref<4x128xi32, #tpu.memory_space<vmem>>) target_semaphore(%run_scoped3A : memref<!tpu.dma_semaphore, #tpu.memory_space<semaphore_mem>>)
      %dma_wait3A_227 = arith.constant 0 : i32
      %dma_wait3A_228 = arith.constant 0 : i32
      %dma_wait3A_229 = tpu.memref_slice %arg2[%add3A, %dma_wait3A_227, %dma_wait3A_228] : memref<32x4x128xi32, #tpu.memory_space<hbm>> -> memref<1x4x128xi32, #tpu.memory_space<hbm>>
      %dma_wait3A_230 = tpu.memref_squeeze %dma_wait3A_229 : memref<1x4x128xi32, #tpu.memory_space<hbm>> -> memref<4x128xi32, #tpu.memory_space<hbm>>
      %dma_wait3A_231 = arith.constant 0 : i32
      %dma_wait3A_232 = arith.constant 0 : i32
      %dma_wait3A_233 = tpu.memref_slice %arg2[%add3A, %dma_wait3A_231, %dma_wait3A_232] : memref<32x4x128xi32, #tpu.memory_space<hbm>> -> memref<1x4x128xi32, #tpu.memory_space<hbm>>
      %dma_wait3A_234 = tpu.memref_squeeze %dma_wait3A_233 : memref<1x4x128xi32, #tpu.memory_space<hbm>> -> memref<4x128xi32, #tpu.memory_space<hbm>>
      tpu.wait_dma2 semaphore(%run_scoped3A : memref<!tpu.dma_semaphore, #tpu.memory_space<semaphore_mem>>) src(%dma_wait3A_234 : memref<4x128xi32, #tpu.memory_space<hbm>>) dst(%arg5 : memref<4x128xi32, #tpu.memory_space<vmem>>)
      tpu.yield
    }) : () -> ()
    %barrier3A = arith.constant 0 : index
    tpu.barrier barrier_id(%barrier3A)
    %dma_start3A = arith.constant 0 : i32
    %dma_start3A_5 = arith.constant 0 : i32
    %dma_start3A_6 = arith.constant 0 : i32
    %dma_start3A_7 = tpu.memref_slice %arg6[%dma_start3A_5, %dma_start3A_6] : memref<512x64xf32, #tpu.memory_space<vmem>> -> memref<128x64xf32, #tpu.memory_space<vmem>>
    %dma_start3A_8 = arith.constant 0 : i32
    %dma_start3A_9 = tpu.memref_slice %arg5[%dma_start3A, %dma_start3A_8] : memref<4x128xi32, #tpu.memory_space<vmem>> -> memref<1x128xi32, #tpu.memory_space<vmem>>
    %dma_start3A_10 = tpu.memref_squeeze %dma_start3A_9 : memref<1x128xi32, #tpu.memory_space<vmem>> -> memref<128xi32, #tpu.memory_space<vmem>>
    %dma_start3A_11 = arith.constant 0 : i32
    %dma_start3A_12 = arith.constant 0 : i32
    %dma_start3A_13 = tpu.memref_slice %arg7[%dma_start3A_11, %dma_start3A_12] : memref<1000x64xf32, #tpu.memory_space<vmem_shared>> -> memref<1000x64xf32, #tpu.memory_space<vmem_shared>>
    tpu.enqueue_indirect_dma source(%dma_start3A_13 : memref<1000x64xf32, #tpu.memory_space<vmem_shared>>) target(%dma_start3A_7 : memref<128x64xf32, #tpu.memory_space<vmem>>) offsets(%dma_start3A_10 : memref<128xi32, #tpu.memory_space<vmem>>) semaphore(%arg8 : memref<!tpu.dma_semaphore, #tpu.memory_space<semaphore_mem>>)
    %dma_start3A_14 = arith.constant 1 : i32
    %dma_start3A_15 = arith.constant 128 : i32
    %dma_start3A_16 = arith.constant 0 : i32
    %dma_start3A_17 = tpu.memref_slice %arg6[%dma_start3A_15, %dma_start3A_16] : memref<512x64xf32, #tpu.memory_space<vmem>> -> memref<128x64xf32, #tpu.memory_space<vmem>>
    %dma_start3A_18 = arith.constant 0 : i32
    %dma_start3A_19 = tpu.memref_slice %arg5[%dma_start3A_14, %dma_start3A_18] : memref<4x128xi32, #tpu.memory_space<vmem>> -> memref<1x128xi32, #tpu.memory_space<vmem>>
    %dma_start3A_20 = tpu.memref_squeeze %dma_start3A_19 : memref<1x128xi32, #tpu.memory_space<vmem>> -> memref<128xi32, #tpu.memory_space<vmem>>
    %dma_start3A_21 = arith.constant 0 : i32
    %dma_start3A_22 = arith.constant 0 : i32
    %dma_start3A_23 = tpu.memref_slice %arg7[%dma_start3A_21, %dma_start3A_22] : memref<1000x64xf32, #tpu.memory_space<vmem_shared>> -> memref<1000x64xf32, #tpu.memory_space<vmem_shared>>
    tpu.enqueue_indirect_dma source(%dma_start3A_23 : memref<1000x64xf32, #tpu.memory_space<vmem_shared>>) target(%dma_start3A_17 : memref<128x64xf32, #tpu.memory_space<vmem>>) offsets(%dma_start3A_20 : memref<128xi32, #tpu.memory_space<vmem>>) semaphore(%arg8 : memref<!tpu.dma_semaphore, #tpu.memory_space<semaphore_mem>>)
    %dma_start3A_24 = arith.constant 2 : i32
    %dma_start3A_25 = arith.constant 256 : i32
    %dma_start3A_26 = arith.constant 0 : i32
    %dma_start3A_27 = tpu.memref_slice %arg6[%dma_start3A_25, %dma_start3A_26] : memref<512x64xf32, #tpu.memory_space<vmem>> -> memref<128x64xf32, #tpu.memory_space<vmem>>
    %dma_start3A_28 = arith.constant 0 : i32
    %dma_start3A_29 = tpu.memref_slice %arg5[%dma_start3A_24, %dma_start3A_28] : memref<4x128xi32, #tpu.memory_space<vmem>> -> memref<1x128xi32, #tpu.memory_space<vmem>>
    %dma_start3A_30 = tpu.memref_squeeze %dma_start3A_29 : memref<1x128xi32, #tpu.memory_space<vmem>> -> memref<128xi32, #tpu.memory_space<vmem>>
    %dma_start3A_31 = arith.constant 0 : i32
    %dma_start3A_32 = arith.constant 0 : i32
    %dma_start3A_33 = tpu.memref_slice %arg7[%dma_start3A_31, %dma_start3A_32] : memref<1000x64xf32, #tpu.memory_space<vmem_shared>> -> memref<1000x64xf32, #tpu.memory_space<vmem_shared>>
    tpu.enqueue_indirect_dma source(%dma_start3A_33 : memref<1000x64xf32, #tpu.memory_space<vmem_shared>>) target(%dma_start3A_27 : memref<128x64xf32, #tpu.memory_space<vmem>>) offsets(%dma_start3A_30 : memref<128xi32, #tpu.memory_space<vmem>>) semaphore(%arg8 : memref<!tpu.dma_semaphore, #tpu.memory_space<semaphore_mem>>)
    %dma_start3A_34 = arith.constant 3 : i32
    %dma_start3A_35 = arith.constant 384 : i32
    %dma_start3A_36 = arith.constant 0 : i32
    %dma_start3A_37 = tpu.memref_slice %arg6[%dma_start3A_35, %dma_start3A_36] : memref<512x64xf32, #tpu.memory_space<vmem>> -> memref<128x64xf32, #tpu.memory_space<vmem>>
    %dma_start3A_38 = arith.constant 0 : i32
    %dma_start3A_39 = tpu.memref_slice %arg5[%dma_start3A_34, %dma_start3A_38] : memref<4x128xi32, #tpu.memory_space<vmem>> -> memref<1x128xi32, #tpu.memory_space<vmem>>
    %dma_start3A_40 = tpu.memref_squeeze %dma_start3A_39 : memref<1x128xi32, #tpu.memory_space<vmem>> -> memref<128xi32, #tpu.memory_space<vmem>>
    %dma_start3A_41 = arith.constant 0 : i32
    %dma_start3A_42 = arith.constant 0 : i32
    %dma_start3A_43 = tpu.memref_slice %arg7[%dma_start3A_41, %dma_start3A_42] : memref<1000x64xf32, #tpu.memory_space<vmem_shared>> -> memref<1000x64xf32, #tpu.memory_space<vmem_shared>>
    tpu.enqueue_indirect_dma source(%dma_start3A_43 : memref<1000x64xf32, #tpu.memory_space<vmem_shared>>) target(%dma_start3A_37 : memref<128x64xf32, #tpu.memory_space<vmem>>) offsets(%dma_start3A_40 : memref<128xi32, #tpu.memory_space<vmem>>) semaphore(%arg8 : memref<!tpu.dma_semaphore, #tpu.memory_space<semaphore_mem>>)
    %dma_wait3A = arith.constant 0 : i32
    %dma_wait3A_44 = arith.constant 0 : i32
    %dma_wait3A_45 = arith.constant 0 : i32
    %dma_wait3A_46 = tpu.memref_slice %arg6[%dma_wait3A_44, %dma_wait3A_45] : memref<512x64xf32, #tpu.memory_space<vmem>> -> memref<128x64xf32, #tpu.memory_space<vmem>>
    %dma_wait3A_47 = arith.constant 0 : i32
    %dma_wait3A_48 = tpu.memref_slice %arg5[%dma_wait3A, %dma_wait3A_47] : memref<4x128xi32, #tpu.memory_space<vmem>> -> memref<1x128xi32, #tpu.memory_space<vmem>>
    %dma_wait3A_49 = tpu.memref_squeeze %dma_wait3A_48 : memref<1x128xi32, #tpu.memory_space<vmem>> -> memref<128xi32, #tpu.memory_space<vmem>>
    %dma_wait3A_50 = arith.constant 0 : i32
    %dma_wait3A_51 = arith.constant 0 : i32
    %dma_wait3A_52 = tpu.memref_slice %arg7[%dma_wait3A_50, %dma_wait3A_51] : memref<1000x64xf32, #tpu.memory_space<vmem_shared>> -> memref<1000x64xf32, #tpu.memory_space<vmem_shared>>
    tpu.wait_indirect_dma semaphore(%arg8 : memref<!tpu.dma_semaphore, #tpu.memory_space<semaphore_mem>>) src(%dma_wait3A_52 : memref<1000x64xf32, #tpu.memory_space<vmem_shared>>) dst(%dma_wait3A_46 : memref<128x64xf32, #tpu.memory_space<vmem>>)
    %add3A_53 = arith.constant 0 : i32
    %add3A_54 = arith.addi %mul3A_2, %add3A_53 : i32
    %dma_start3A_55 = arith.constant 0 : i32
    %dma_start3A_56 = arith.constant 0 : i32
    %dma_start3A_57 = tpu.memref_slice %arg6[%dma_start3A_55, %dma_start3A_56] : memref<512x64xf32, #tpu.memory_space<vmem>> -> memref<128x64xf32, #tpu.memory_space<vmem>>
    %dma_start3A_58 = arith.constant 0 : i32
    %dma_start3A_59 = tpu.memref_slice %arg4[%add3A_54, %dma_start3A_58] : memref<16384x128xf32, #tpu.memory_space<hbm>> -> memref<128x128xf32, #tpu.memory_space<hbm>>
    %dma_start3A_60 = arith.constant 0 : i32
    %dma_start3A_61 = arith.constant 0 : i32
    %dma_start3A_62 = tpu.memref_slice %dma_start3A_59[%dma_start3A_60, %dma_start3A_61] : memref<128x128xf32, #tpu.memory_space<hbm>> -> memref<128x64xf32, #tpu.memory_space<hbm>>
    %dma_start3A_63 = arith.constant 0 : i32
    %dma_start3A_64 = tpu.memref_slice %arg4[%add3A_54, %dma_start3A_63] : memref<16384x128xf32, #tpu.memory_space<hbm>> -> memref<128x128xf32, #tpu.memory_space<hbm>>
    %dma_start3A_65 = arith.constant 0 : i32
    %dma_start3A_66 = arith.constant 0 : i32
    %dma_start3A_67 = tpu.memref_slice %dma_start3A_64[%dma_start3A_65, %dma_start3A_66] : memref<128x128xf32, #tpu.memory_space<hbm>> -> memref<128x64xf32, #tpu.memory_space<hbm>>
    %dma_start3A_68 = arith.constant 0 : i32
    %dma_start3A_69 = arith.constant 0 : i32
    %dma_start3A_70 = tpu.memref_slice %arg6[%dma_start3A_68, %dma_start3A_69] : memref<512x64xf32, #tpu.memory_space<vmem>> -> memref<128x64xf32, #tpu.memory_space<vmem>>
    tpu.enqueue_dma source(%dma_start3A_70 : memref<128x64xf32, #tpu.memory_space<vmem>>) target(%dma_start3A_67 : memref<128x64xf32, #tpu.memory_space<hbm>>) target_semaphore(%arg9 : memref<!tpu.dma_semaphore, #tpu.memory_space<semaphore_mem>>)
    %dma_wait3A_71 = arith.constant 1 : i32
    %dma_wait3A_72 = arith.constant 128 : i32
    %dma_wait3A_73 = arith.constant 0 : i32
    %dma_wait3A_74 = tpu.memref_slice %arg6[%dma_wait3A_72, %dma_wait3A_73] : memref<512x64xf32, #tpu.memory_space<vmem>> -> memref<128x64xf32, #tpu.memory_space<vmem>>
    %dma_wait3A_75 = arith.constant 0 : i32
    %dma_wait3A_76 = tpu.memref_slice %arg5[%dma_wait3A_71, %dma_wait3A_75] : memref<4x128xi32, #tpu.memory_space<vmem>> -> memref<1x128xi32, #tpu.memory_space<vmem>>
    %dma_wait3A_77 = tpu.memref_squeeze %dma_wait3A_76 : memref<1x128xi32, #tpu.memory_space<vmem>> -> memref<128xi32, #tpu.memory_space<vmem>>
    %dma_wait3A_78 = arith.constant 0 : i32
    %dma_wait3A_79 = arith.constant 0 : i32
    %dma_wait3A_80 = tpu.memref_slice %arg7[%dma_wait3A_78, %dma_wait3A_79] : memref<1000x64xf32, #tpu.memory_space<vmem_shared>> -> memref<1000x64xf32, #tpu.memory_space<vmem_shared>>
    tpu.wait_indirect_dma semaphore(%arg8 : memref<!tpu.dma_semaphore, #tpu.memory_space<semaphore_mem>>) src(%dma_wait3A_80 : memref<1000x64xf32, #tpu.memory_space<vmem_shared>>) dst(%dma_wait3A_74 : memref<128x64xf32, #tpu.memory_space<vmem>>)
    %add3A_81 = arith.constant 128 : i32
    %add3A_82 = arith.addi %mul3A_2, %add3A_81 : i32
    %dma_start3A_83 = arith.constant 128 : i32
    %dma_start3A_84 = arith.constant 0 : i32
    %dma_start3A_85 = tpu.memref_slice %arg6[%dma_start3A_83, %dma_start3A_84] : memref<512x64xf32, #tpu.memory_space<vmem>> -> memref<128x64xf32, #tpu.memory_space<vmem>>
    %dma_start3A_86 = arith.constant 0 : i32
    %dma_start3A_87 = tpu.memref_slice %arg4[%add3A_82, %dma_start3A_86] : memref<16384x128xf32, #tpu.memory_space<hbm>> -> memref<128x128xf32, #tpu.memory_space<hbm>>
    %dma_start3A_88 = arith.constant 0 : i32
    %dma_start3A_89 = arith.constant 0 : i32
    %dma_start3A_90 = tpu.memref_slice %dma_start3A_87[%dma_start3A_88, %dma_start3A_89] : memref<128x128xf32, #tpu.memory_space<hbm>> -> memref<128x64xf32, #tpu.memory_space<hbm>>
    %dma_start3A_91 = arith.constant 0 : i32
    %dma_start3A_92 = tpu.memref_slice %arg4[%add3A_82, %dma_start3A_91] : memref<16384x128xf32, #tpu.memory_space<hbm>> -> memref<128x128xf32, #tpu.memory_space<hbm>>
    %dma_start3A_93 = arith.constant 0 : i32
    %dma_start3A_94 = arith.constant 0 : i32
    %dma_start3A_95 = tpu.memref_slice %dma_start3A_92[%dma_start3A_93, %dma_start3A_94] : memref<128x128xf32, #tpu.memory_space<hbm>> -> memref<128x64xf32, #tpu.memory_space<hbm>>
    %dma_start3A_96 = arith.constant 128 : i32
    %dma_start3A_97 = arith.constant 0 : i32
    %dma_start3A_98 = tpu.memref_slice %arg6[%dma_start3A_96, %dma_start3A_97] : memref<512x64xf32, #tpu.memory_space<vmem>> -> memref<128x64xf32, #tpu.memory_space<vmem>>
    tpu.enqueue_dma source(%dma_start3A_98 : memref<128x64xf32, #tpu.memory_space<vmem>>) target(%dma_start3A_95 : memref<128x64xf32, #tpu.memory_space<hbm>>) target_semaphore(%arg9 : memref<!tpu.dma_semaphore, #tpu.memory_space<semaphore_mem>>)
    %dma_wait3A_99 = arith.constant 2 : i32
    %dma_wait3A_100 = arith.constant 256 : i32
    %dma_wait3A_101 = arith.constant 0 : i32
    %dma_wait3A_102 = tpu.memref_slice %arg6[%dma_wait3A_100, %dma_wait3A_101] : memref<512x64xf32, #tpu.memory_space<vmem>> -> memref<128x64xf32, #tpu.memory_space<vmem>>
    %dma_wait3A_103 = arith.constant 0 : i32
    %dma_wait3A_104 = tpu.memref_slice %arg5[%dma_wait3A_99, %dma_wait3A_103] : memref<4x128xi32, #tpu.memory_space<vmem>> -> memref<1x128xi32, #tpu.memory_space<vmem>>
    %dma_wait3A_105 = tpu.memref_squeeze %dma_wait3A_104 : memref<1x128xi32, #tpu.memory_space<vmem>> -> memref<128xi32, #tpu.memory_space<vmem>>
    %dma_wait3A_106 = arith.constant 0 : i32
    %dma_wait3A_107 = arith.constant 0 : i32
    %dma_wait3A_108 = tpu.memref_slice %arg7[%dma_wait3A_106, %dma_wait3A_107] : memref<1000x64xf32, #tpu.memory_space<vmem_shared>> -> memref<1000x64xf32, #tpu.memory_space<vmem_shared>>
    tpu.wait_indirect_dma semaphore(%arg8 : memref<!tpu.dma_semaphore, #tpu.memory_space<semaphore_mem>>) src(%dma_wait3A_108 : memref<1000x64xf32, #tpu.memory_space<vmem_shared>>) dst(%dma_wait3A_102 : memref<128x64xf32, #tpu.memory_space<vmem>>)
    %add3A_109 = arith.constant 256 : i32
    %add3A_110 = arith.addi %mul3A_2, %add3A_109 : i32
    %dma_start3A_111 = arith.constant 256 : i32
    %dma_start3A_112 = arith.constant 0 : i32
    %dma_start3A_113 = tpu.memref_slice %arg6[%dma_start3A_111, %dma_start3A_112] : memref<512x64xf32, #tpu.memory_space<vmem>> -> memref<128x64xf32, #tpu.memory_space<vmem>>
    %dma_start3A_114 = arith.constant 0 : i32
    %dma_start3A_115 = tpu.memref_slice %arg4[%add3A_110, %dma_start3A_114] : memref<16384x128xf32, #tpu.memory_space<hbm>> -> memref<128x128xf32, #tpu.memory_space<hbm>>
    %dma_start3A_116 = arith.constant 0 : i32
    %dma_start3A_117 = arith.constant 0 : i32
    %dma_start3A_118 = tpu.memref_slice %dma_start3A_115[%dma_start3A_116, %dma_start3A_117] : memref<128x128xf32, #tpu.memory_space<hbm>> -> memref<128x64xf32, #tpu.memory_space<hbm>>
    %dma_start3A_119 = arith.constant 0 : i32
    %dma_start3A_120 = tpu.memref_slice %arg4[%add3A_110, %dma_start3A_119] : memref<16384x128xf32, #tpu.memory_space<hbm>> -> memref<128x128xf32, #tpu.memory_space<hbm>>
    %dma_start3A_121 = arith.constant 0 : i32
    %dma_start3A_122 = arith.constant 0 : i32
    %dma_start3A_123 = tpu.memref_slice %dma_start3A_120[%dma_start3A_121, %dma_start3A_122] : memref<128x128xf32, #tpu.memory_space<hbm>> -> memref<128x64xf32, #tpu.memory_space<hbm>>
    %dma_start3A_124 = arith.constant 256 : i32
    %dma_start3A_125 = arith.constant 0 : i32
    %dma_start3A_126 = tpu.memref_slice %arg6[%dma_start3A_124, %dma_start3A_125] : memref<512x64xf32, #tpu.memory_space<vmem>> -> memref<128x64xf32, #tpu.memory_space<vmem>>
    tpu.enqueue_dma source(%dma_start3A_126 : memref<128x64xf32, #tpu.memory_space<vmem>>) target(%dma_start3A_123 : memref<128x64xf32, #tpu.memory_space<hbm>>) target_semaphore(%arg9 : memref<!tpu.dma_semaphore, #tpu.memory_space<semaphore_mem>>)
    %dma_wait3A_127 = arith.constant 3 : i32
    %dma_wait3A_128 = arith.constant 384 : i32
    %dma_wait3A_129 = arith.constant 0 : i32
    %dma_wait3A_130 = tpu.memref_slice %arg6[%dma_wait3A_128, %dma_wait3A_129] : memref<512x64xf32, #tpu.memory_space<vmem>> -> memref<128x64xf32, #tpu.memory_space<vmem>>
    %dma_wait3A_131 = arith.constant 0 : i32
    %dma_wait3A_132 = tpu.memref_slice %arg5[%dma_wait3A_127, %dma_wait3A_131] : memref<4x128xi32, #tpu.memory_space<vmem>> -> memref<1x128xi32, #tpu.memory_space<vmem>>
    %dma_wait3A_133 = tpu.memref_squeeze %dma_wait3A_132 : memref<1x128xi32, #tpu.memory_space<vmem>> -> memref<128xi32, #tpu.memory_space<vmem>>
    %dma_wait3A_134 = arith.constant 0 : i32
    %dma_wait3A_135 = arith.constant 0 : i32
    %dma_wait3A_136 = tpu.memref_slice %arg7[%dma_wait3A_134, %dma_wait3A_135] : memref<1000x64xf32, #tpu.memory_space<vmem_shared>> -> memref<1000x64xf32, #tpu.memory_space<vmem_shared>>
    tpu.wait_indirect_dma semaphore(%arg8 : memref<!tpu.dma_semaphore, #tpu.memory_space<semaphore_mem>>) src(%dma_wait3A_136 : memref<1000x64xf32, #tpu.memory_space<vmem_shared>>) dst(%dma_wait3A_130 : memref<128x64xf32, #tpu.memory_space<vmem>>)
    %add3A_137 = arith.constant 384 : i32
    %add3A_138 = arith.addi %mul3A_2, %add3A_137 : i32
    %dma_start3A_139 = arith.constant 384 : i32
    %dma_start3A_140 = arith.constant 0 : i32
    %dma_start3A_141 = tpu.memref_slice %arg6[%dma_start3A_139, %dma_start3A_140] : memref<512x64xf32, #tpu.memory_space<vmem>> -> memref<128x64xf32, #tpu.memory_space<vmem>>
    %dma_start3A_142 = arith.constant 0 : i32
    %dma_start3A_143 = tpu.memref_slice %arg4[%add3A_138, %dma_start3A_142] : memref<16384x128xf32, #tpu.memory_space<hbm>> -> memref<128x128xf32, #tpu.memory_space<hbm>>
    %dma_start3A_144 = arith.constant 0 : i32
    %dma_start3A_145 = arith.constant 0 : i32
    %dma_start3A_146 = tpu.memref_slice %dma_start3A_143[%dma_start3A_144, %dma_start3A_145] : memref<128x128xf32, #tpu.memory_space<hbm>> -> memref<128x64xf32, #tpu.memory_space<hbm>>
    %dma_start3A_147 = arith.constant 0 : i32
    %dma_start3A_148 = tpu.memref_slice %arg4[%add3A_138, %dma_start3A_147] : memref<16384x128xf32, #tpu.memory_space<hbm>> -> memref<128x128xf32, #tpu.memory_space<hbm>>
    %dma_start3A_149 = arith.constant 0 : i32
    %dma_start3A_150 = arith.constant 0 : i32
    %dma_start3A_151 = tpu.memref_slice %dma_start3A_148[%dma_start3A_149, %dma_start3A_150] : memref<128x128xf32, #tpu.memory_space<hbm>> -> memref<128x64xf32, #tpu.memory_space<hbm>>
    %dma_start3A_152 = arith.constant 384 : i32
    %dma_start3A_153 = arith.constant 0 : i32
    %dma_start3A_154 = tpu.memref_slice %arg6[%dma_start3A_152, %dma_start3A_153] : memref<512x64xf32, #tpu.memory_space<vmem>> -> memref<128x64xf32, #tpu.memory_space<vmem>>
    tpu.enqueue_dma source(%dma_start3A_154 : memref<128x64xf32, #tpu.memory_space<vmem>>) target(%dma_start3A_151 : memref<128x64xf32, #tpu.memory_space<hbm>>) target_semaphore(%arg9 : memref<!tpu.dma_semaphore, #tpu.memory_space<semaphore_mem>>)
    %dma_wait3A_155 = arith.constant 0 : i32
    %dma_wait3A_156 = arith.constant 0 : i32
    %dma_wait3A_157 = tpu.memref_slice %arg6[%dma_wait3A_155, %dma_wait3A_156] : memref<512x64xf32, #tpu.memory_space<vmem>> -> memref<128x64xf32, #tpu.memory_space<vmem>>
    %dma_wait3A_158 = arith.constant 0 : i32
    %dma_wait3A_159 = tpu.memref_slice %arg4[%add3A_54, %dma_wait3A_158] : memref<16384x128xf32, #tpu.memory_space<hbm>> -> memref<128x128xf32, #tpu.memory_space<hbm>>
    %dma_wait3A_160 = arith.constant 0 : i32
    %dma_wait3A_161 = arith.constant 0 : i32
    %dma_wait3A_162 = tpu.memref_slice %dma_wait3A_159[%dma_wait3A_160, %dma_wait3A_161] : memref<128x128xf32, #tpu.memory_space<hbm>> -> memref<128x64xf32, #tpu.memory_space<hbm>>
    %dma_wait3A_163 = arith.constant 0 : i32
    %dma_wait3A_164 = tpu.memref_slice %arg4[%add3A_54, %dma_wait3A_163] : memref<16384x128xf32, #tpu.memory_space<hbm>> -> memref<128x128xf32, #tpu.memory_space<hbm>>
    %dma_wait3A_165 = arith.constant 0 : i32
    %dma_wait3A_166 = arith.constant 0 : i32
    %dma_wait3A_167 = tpu.memref_slice %dma_wait3A_164[%dma_wait3A_165, %dma_wait3A_166] : memref<128x128xf32, #tpu.memory_space<hbm>> -> memref<128x64xf32, #tpu.memory_space<hbm>>
    %dma_wait3A_168 = arith.constant 0 : i32
    %dma_wait3A_169 = arith.constant 0 : i32
    %dma_wait3A_170 = tpu.memref_slice %arg6[%dma_wait3A_168, %dma_wait3A_169] : memref<512x64xf32, #tpu.memory_space<vmem>> -> memref<128x64xf32, #tpu.memory_space<vmem>>
    tpu.wait_dma2 semaphore(%arg9 : memref<!tpu.dma_semaphore, #tpu.memory_space<semaphore_mem>>) src(%dma_wait3A_170 : memref<128x64xf32, #tpu.memory_space<vmem>>) dst(%dma_wait3A_167 : memref<128x64xf32, #tpu.memory_space<hbm>>)
    %dma_wait3A_171 = arith.constant 128 : i32
    %dma_wait3A_172 = arith.constant 0 : i32
    %dma_wait3A_173 = tpu.memref_slice %arg6[%dma_wait3A_171, %dma_wait3A_172] : memref<512x64xf32, #tpu.memory_space<vmem>> -> memref<128x64xf32, #tpu.memory_space<vmem>>
    %dma_wait3A_174 = arith.constant 0 : i32
    %dma_wait3A_175 = tpu.memref_slice %arg4[%add3A_82, %dma_wait3A_174] : memref<16384x128xf32, #tpu.memory_space<hbm>> -> memref<128x128xf32, #tpu.memory_space<hbm>>
    %dma_wait3A_176 = arith.constant 0 : i32
    %dma_wait3A_177 = arith.constant 0 : i32
    %dma_wait3A_178 = tpu.memref_slice %dma_wait3A_175[%dma_wait3A_176, %dma_wait3A_177] : memref<128x128xf32, #tpu.memory_space<hbm>> -> memref<128x64xf32, #tpu.memory_space<hbm>>
    %dma_wait3A_179 = arith.constant 0 : i32
    %dma_wait3A_180 = tpu.memref_slice %arg4[%add3A_82, %dma_wait3A_179] : memref<16384x128xf32, #tpu.memory_space<hbm>> -> memref<128x128xf32, #tpu.memory_space<hbm>>
    %dma_wait3A_181 = arith.constant 0 : i32
    %dma_wait3A_182 = arith.constant 0 : i32
    %dma_wait3A_183 = tpu.memref_slice %dma_wait3A_180[%dma_wait3A_181, %dma_wait3A_182] : memref<128x128xf32, #tpu.memory_space<hbm>> -> memref<128x64xf32, #tpu.memory_space<hbm>>
    %dma_wait3A_184 = arith.constant 128 : i32
    %dma_wait3A_185 = arith.constant 0 : i32
    %dma_wait3A_186 = tpu.memref_slice %arg6[%dma_wait3A_184, %dma_wait3A_185] : memref<512x64xf32, #tpu.memory_space<vmem>> -> memref<128x64xf32, #tpu.memory_space<vmem>>
    tpu.wait_dma2 semaphore(%arg9 : memref<!tpu.dma_semaphore, #tpu.memory_space<semaphore_mem>>) src(%dma_wait3A_186 : memref<128x64xf32, #tpu.memory_space<vmem>>) dst(%dma_wait3A_183 : memref<128x64xf32, #tpu.memory_space<hbm>>)
    %dma_wait3A_187 = arith.constant 256 : i32
    %dma_wait3A_188 = arith.constant 0 : i32
    %dma_wait3A_189 = tpu.memref_slice %arg6[%dma_wait3A_187, %dma_wait3A_188] : memref<512x64xf32, #tpu.memory_space<vmem>> -> memref<128x64xf32, #tpu.memory_space<vmem>>
    %dma_wait3A_190 = arith.constant 0 : i32
    %dma_wait3A_191 = tpu.memref_slice %arg4[%add3A_110, %dma_wait3A_190] : memref<16384x128xf32, #tpu.memory_space<hbm>> -> memref<128x128xf32, #tpu.memory_space<hbm>>
    %dma_wait3A_192 = arith.constant 0 : i32
    %dma_wait3A_193 = arith.constant 0 : i32
    %dma_wait3A_194 = tpu.memref_slice %dma_wait3A_191[%dma_wait3A_192, %dma_wait3A_193] : memref<128x128xf32, #tpu.memory_space<hbm>> -> memref<128x64xf32, #tpu.memory_space<hbm>>
    %dma_wait3A_195 = arith.constant 0 : i32
    %dma_wait3A_196 = tpu.memref_slice %arg4[%add3A_110, %dma_wait3A_195] : memref<16384x128xf32, #tpu.memory_space<hbm>> -> memref<128x128xf32, #tpu.memory_space<hbm>>
    %dma_wait3A_197 = arith.constant 0 : i32
    %dma_wait3A_198 = arith.constant 0 : i32
    %dma_wait3A_199 = tpu.memref_slice %dma_wait3A_196[%dma_wait3A_197, %dma_wait3A_198] : memref<128x128xf32, #tpu.memory_space<hbm>> -> memref<128x64xf32, #tpu.memory_space<hbm>>
    %dma_wait3A_200 = arith.constant 256 : i32
    %dma_wait3A_201 = arith.constant 0 : i32
    %dma_wait3A_202 = tpu.memref_slice %arg6[%dma_wait3A_200, %dma_wait3A_201] : memref<512x64xf32, #tpu.memory_space<vmem>> -> memref<128x64xf32, #tpu.memory_space<vmem>>
    tpu.wait_dma2 semaphore(%arg9 : memref<!tpu.dma_semaphore, #tpu.memory_space<semaphore_mem>>) src(%dma_wait3A_202 : memref<128x64xf32, #tpu.memory_space<vmem>>) dst(%dma_wait3A_199 : memref<128x64xf32, #tpu.memory_space<hbm>>)
    %dma_wait3A_203 = arith.constant 384 : i32
    %dma_wait3A_204 = arith.constant 0 : i32
    %dma_wait3A_205 = tpu.memref_slice %arg6[%dma_wait3A_203, %dma_wait3A_204] : memref<512x64xf32, #tpu.memory_space<vmem>> -> memref<128x64xf32, #tpu.memory_space<vmem>>
    %dma_wait3A_206 = arith.constant 0 : i32
    %dma_wait3A_207 = tpu.memref_slice %arg4[%add3A_138, %dma_wait3A_206] : memref<16384x128xf32, #tpu.memory_space<hbm>> -> memref<128x128xf32, #tpu.memory_space<hbm>>
    %dma_wait3A_208 = arith.constant 0 : i32
    %dma_wait3A_209 = arith.constant 0 : i32
    %dma_wait3A_210 = tpu.memref_slice %dma_wait3A_207[%dma_wait3A_208, %dma_wait3A_209] : memref<128x128xf32, #tpu.memory_space<hbm>> -> memref<128x64xf32, #tpu.memory_space<hbm>>
    %dma_wait3A_211 = arith.constant 0 : i32
    %dma_wait3A_212 = tpu.memref_slice %arg4[%add3A_138, %dma_wait3A_211] : memref<16384x128xf32, #tpu.memory_space<hbm>> -> memref<128x128xf32, #tpu.memory_space<hbm>>
    %dma_wait3A_213 = arith.constant 0 : i32
    %dma_wait3A_214 = arith.constant 0 : i32
    %dma_wait3A_215 = tpu.memref_slice %dma_wait3A_212[%dma_wait3A_213, %dma_wait3A_214] : memref<128x128xf32, #tpu.memory_space<hbm>> -> memref<128x64xf32, #tpu.memory_space<hbm>>
    %dma_wait3A_216 = arith.constant 384 : i32
    %dma_wait3A_217 = arith.constant 0 : i32
    %dma_wait3A_218 = tpu.memref_slice %arg6[%dma_wait3A_216, %dma_wait3A_217] : memref<512x64xf32, #tpu.memory_space<vmem>> -> memref<128x64xf32, #tpu.memory_space<vmem>>
    tpu.wait_dma2 semaphore(%arg9 : memref<!tpu.dma_semaphore, #tpu.memory_space<semaphore_mem>>) src(%dma_wait3A_218 : memref<128x64xf32, #tpu.memory_space<vmem>>) dst(%dma_wait3A_215 : memref<128x64xf32, #tpu.memory_space<hbm>>)
    return
  }
}

module attributes {stable_mosaic.version = 14 : i64} {
  func.func @_tc_ln_kernel(%arg0: i32, %arg1: memref<4096x128xf32, #tpu.memory_space<vmem>>, %arg2: memref<1x64xf32, #tpu.memory_space<vmem>>, %arg3: memref<1x64xf32, #tpu.memory_space<vmem>>, %arg4: memref<64x4096xf32, #tpu.memory_space<vmem>>) attributes {dimension_semantics = [#tpu.dimension_semantics<arbitrary>], iteration_bounds = array<i64: 4>, scalar_prefetch = 0 : i64, scratch_operands = 0 : i64, tpu.core_type = #tpu.core_type<tc>, window_params = [{transform_indices = @transform_0, window_bounds = array<i64: 4096, 128>}, {pipeline_mode = #tpu.pipeline_mode<synchronous>, transform_indices = @transform_1, window_bounds = array<i64: 1, 64>}, {pipeline_mode = #tpu.pipeline_mode<synchronous>, transform_indices = @transform_2, window_bounds = array<i64: 1, 64>}, {transform_indices = @transform_3, window_bounds = array<i64: 64, 4096>}]} {
    %get3A = arith.constant 0 : index
    %get3A_0 = arith.constant 0 : index
    %get3A_1 = vector.load %arg1[%get3A, %get3A_0] : memref<4096x128xf32, #tpu.memory_space<vmem>>, vector<4096x64xf32>
    %reduce_sum3A = arith.constant dense<0.000000e+00> : vector<4096xf32>
    %reduce_sum3A_2 = vector.multi_reduction <add>, %get3A_1, %reduce_sum3A [1] : vector<4096x64xf32> to vector<4096xf32>
    %broadcast_in_dim3A = vector.shape_cast %reduce_sum3A_2 : vector<4096xf32> to vector<4096x1xf32>
    %div3A = arith.constant 6.400000e+01 : f32
    %div3A_3 = vector.broadcast %div3A : f32 to vector<4096x1xf32>
    %div3A_4 = arith.divf %broadcast_in_dim3A, %div3A_3 : vector<4096x1xf32>
    %sub3A = vector.broadcast %div3A_4 : vector<4096x1xf32> to vector<4096x64xf32>
    %sub3A_5 = arith.subf %get3A_1, %sub3A : vector<4096x64xf32>
    %integer_pow3A = arith.mulf %sub3A_5, %sub3A_5 : vector<4096x64xf32>
    %reduce_sum3A_6 = arith.constant dense<0.000000e+00> : vector<4096xf32>
    %reduce_sum3A_7 = vector.multi_reduction <add>, %integer_pow3A, %reduce_sum3A_6 [1] : vector<4096x64xf32> to vector<4096xf32>
    %broadcast_in_dim3A_8 = vector.shape_cast %reduce_sum3A_7 : vector<4096xf32> to vector<4096x1xf32>
    %div3A_9 = arith.constant 6.400000e+01 : f32
    %div3A_10 = vector.broadcast %div3A_9 : f32 to vector<4096x1xf32>
    %div3A_11 = arith.divf %broadcast_in_dim3A_8, %div3A_10 : vector<4096x1xf32>
    %sub3A_12 = vector.broadcast %div3A_4 : vector<4096x1xf32> to vector<4096x64xf32>
    %sub3A_13 = arith.subf %get3A_1, %sub3A_12 : vector<4096x64xf32>
    %add3A = arith.constant 9.99999974E-6 : f32
    %add3A_14 = vector.broadcast %add3A : f32 to vector<4096x1xf32>
    %add3A_15 = arith.addf %div3A_11, %add3A_14 : vector<4096x1xf32>
    %rsqrt3A = math.rsqrt %add3A_15 : vector<4096x1xf32>
    %mul3A = vector.broadcast %rsqrt3A : vector<4096x1xf32> to vector<4096x64xf32>
    %mul3A_16 = arith.mulf %sub3A_13, %mul3A : vector<4096x64xf32>
    %get3A_17 = arith.constant 0 : index
    %get3A_18 = arith.constant 0 : index
    %get3A_19 = vector.load %arg2[%get3A_17, %get3A_18] : memref<1x64xf32, #tpu.memory_space<vmem>>, vector<1x64xf32>
    %mul3A_20 = vector.broadcast %get3A_19 : vector<1x64xf32> to vector<4096x64xf32>
    %mul3A_21 = arith.mulf %mul3A_16, %mul3A_20 : vector<4096x64xf32>
    %get3A_22 = arith.constant 0 : index
    %get3A_23 = arith.constant 0 : index
    %get3A_24 = vector.load %arg3[%get3A_22, %get3A_23] : memref<1x64xf32, #tpu.memory_space<vmem>>, vector<1x64xf32>
    %add3A_25 = vector.broadcast %get3A_24 : vector<1x64xf32> to vector<4096x64xf32>
    %add3A_26 = arith.addf %mul3A_21, %add3A_25 : vector<4096x64xf32>
    %transpose3A = tpu.transpose %add3A_26, [1, 0] : vector<4096x64xf32> -> vector<64x4096xf32>
    %swap3A = arith.constant 0 : index
    %swap3A_27 = arith.constant 0 : index
    %swap3A_28 = vector.load %arg4[%swap3A, %swap3A_27] : memref<64x4096xf32, #tpu.memory_space<vmem>>, vector<64x4096xf32>
    tpu.vector_store %arg4[%swap3A, %swap3A_27], %transpose3A {strides = array<i32>} : memref<64x4096xf32, #tpu.memory_space<vmem>>, vector<64x4096xf32>,
    return
  }
  func.func @transform_0(%arg0: i32) -> (i32, i32) {
    %c0_i32 = arith.constant 0 : i32
    %c0_i32_0 = arith.constant 0 : i32
    return %arg0, %c0_i32 : i32, i32
  }
  func.func @transform_1(%arg0: i32) -> (i32, i32) {
    %c0_i32 = arith.constant 0 : i32
    %c0_i32_0 = arith.constant 0 : i32
    %c0_i32_1 = arith.constant 0 : i32
    return %c0_i32, %c0_i32_0 : i32, i32
  }
  func.func @transform_2(%arg0: i32) -> (i32, i32) {
    %c0_i32 = arith.constant 0 : i32
    %c0_i32_0 = arith.constant 0 : i32
    %c0_i32_1 = arith.constant 0 : i32
    return %c0_i32, %c0_i32_0 : i32, i32
  }
  func.func @transform_3(%arg0: i32) -> (i32, i32) {
    %c0_i32 = arith.constant 0 : i32
    %c0_i32_0 = arith.constant 0 : i32
    return %c0_i32, %arg0 : i32, i32
  }
}

</mosaic_0001>

<sc_bundles>
// kernel: kernel.4.cloned.1.call-start
scs
__scs_entry_jumppad:
0x0: {  	(pc) =	sbr.rel $0x88, $3  }
0x1: {  	(tag) =	ssettag $0x0;
	lr =	simm.s32 $0x1  }
0x2: {  	[smem:$0x3F9D] =	sst lr;
	_ =	strace $0xD0000000  }
0x3: {  	_ = 	snop  }
0x4: {  	_ = 	snop  }
0x5: {  	_ = 	snop  }
0x6: {  	_ = 	snop  }
0x7: {  	_ = 	snop  }
__scs_overlays_trampoline_lowered:
0x8: {  	[smem:$0x3FAC] =	sst s0  }
0x9: {  	[smem:$0x3FAD] =	sst s1  }
0xa: {  	[smem:$0x3FAE] =	sst s2  }
0xb: {  	[smem:$0x3FAF] =	sst s3  }
0xc: {  	[smem:$0x3FB0] =	sst s4  }
0xd: {  	[smem:$0x3FB1] =	sst s5  }
0xe: {  	[smem:$0x3FB2] =	sst s6  }
0xf: {  	[smem:$0x3FB3] =	sst s7  }
0x10: {  	[smem:$0x3FB4] =	sst s8  }
0x11: {  	[smem:$0x3FB5] =	sst s9;
	s0 =	simm.s32 @!p0 $0x0  }
0x12: {  	s1 =	sld [smem:$0x3F9B];
	s0 =	simm.s32 @p0 $0x1  }
0x13: {  	[smem:$0x3FB6] =	sst s0;
	s0 =	simm.s32 @!p1 $0x0  }
0x14: {  	s2 =	sld [smem:$0x3F9A];
	s0 =	simm.s32 @p1 $0x1  }
0x15: {  	[smem:$0x3FB7] =	sst s0;
	s0 =	simm.s32 @!p2 $0x0  }
0x16: {  	s3 =	sld [smem:$0x3FDB];
	s0 =	simm.s32 @p2 $0x1  }
0x17: {  	s4 =	simm.s32 $0x1BF5;
	[smem:$0x3FB9] =	sst s0  }
0x18: {  	s0 =	sld [smem:$0x3F9C];
	_ =	swait.ge [sflag:s4], $0x0  }
0x19: {  	s7 =	sld [smem:$0x3F9D]  }
0x1a: {  	s8 =	sadd.s32 $0xFFFFE003, lr  }
0x1b: {  	s9 =	sadd.s32 $0xFFFFFEF7, lr;
	s5 =	simm.s32 $0xFFFFFFFF;
	p2 =	slt.u32 s8, $0xFFFFF086  }
0x1c: {  	p1 =	slt.u32 s9, $0xF7A;
	s5 =	simm.s32 @!p2 $0x0  }
0x1d: {  	s5 =	simm.s32 @p1 $0x1;
	p0 =	seq.s32 s7, s2  }
0x1e: {  	s7 =	smul.u32 @!p0 $0xF7A, s2;
	p2 =	seq.s32 @!p0 s5, $0x0  }
0x1f: {  	s9 =	smul.u32 $0xF7A, s1;
	s8 =	simm.s32 @!p0 $0x1BF5;
	p2 =	por !p2, p0  }
0x20: {  	[sflag:s8] =	ssyncset.s32 @!p0 $0xFFFFF086;
	s6 =	sadd.s32 @!p0 s3, s7;
	s7 =	simm.s32 @!p0 $0x108  }
0x21: {  	s3 =	sadd.s32 s3, s9;
	s6 =	sadd.s32 @!p0 $0x88, s6;
	s7 =	simm.s32 @p2 $0x1082  }
0x22: {  	[simem:s7], [sflag:s8] =	dma.local @!p0 [hbm:s6], $0xF7A  }
0x23: {  	s9 =	sor.u32 $0xD0000000, s2;
	s6 =	simm.s32 $0x108;
	_ =	swait.ge @!p0 [sflag:s8], $0x0  }
0x24: {  	s3 =	sadd.s32 $0x88, s3;
	s6 =	simm.s32 @!p1 $0x1082;
	[sflag:s4] =	ssyncset.s32 $0xFFFFF086  }
0x25: {  	[simem:s6], [sflag:s4] =	dma.local [hbm:s3], $0xF7A  }
0x26: {  	[smem:$0x3F9D] =	sst s1;
	(tag) =	ssettag s2;
	_ =	strace s9  }
0x27: {  	s1 =	sld [smem:$0x3FAD]  }
0x28: {  	s2 =	sld [smem:$0x3FAE]  }
0x29: {  	s4 =	sld [smem:$0x3FB0]  }
0x2a: {  	p0 =	seq.s32 s5, $0x0;
	s5 =	sld [smem:$0x3FB1]  }
0x2b: {  	s6 =	sld [smem:$0x3FB2]  }
0x2c: {  	s7 =	sld [smem:$0x3FB3]  }
0x2d: {  	s3 =	simm.s32 $0x108;
	s8 =	sld [smem:$0x3FB4]  }
0x2e: {  	s3 =	simm.s32 @!p0 $0x1082;
	s9 =	sld [smem:$0x3FB5]  }
0x2f: {  	lr =	sadd.s32 s0, s3;
	s0 =	sld [smem:$0x3FAC]  }
0x30: {  	s3 =	sld [smem:$0x3FAF]  }
0x31: {  	[smem:$0x3FB8] =	sst s10  }
0x32: {  	s10 =	sld [smem:$0x3FB6];
	_ =	sdelay $0x3  }
0x33: {  	p0 =	seq.s32 s10, $0x1;
	s10 =	sld [smem:$0x3FB8];
	_ =	sdelay $0x3  }
0x34: {  	[smem:$0x3FB8] =	sst s10  }
0x35: {  	s10 =	sld [smem:$0x3FB7];
	_ =	sdelay $0x3  }
0x36: {  	p1 =	seq.s32 s10, $0x1;
	s10 =	sld [smem:$0x3FB8];
	_ =	sdelay $0x3  }
0x37: {  	[smem:$0x3FB8] =	sst s10  }
0x38: {  	s10 =	sld [smem:$0x3FB9]  }
0x39: {  	_ = 	snop;
	(pc) =	sbr.ind lr, $3  }
0x3a: {  	_ = 	snop  }
0x3b: {  	_ = 	snop  }
0x3c: {  	p2 =	seq.s32 s10, $0x1;
	s10 =	sld [smem:$0x3FB8]  }
0x3d: {  	_ =	shalt  }
0x3e: {  	_ =	shalt  }
0x3f: {  	_ =	shalt  }
0x40: {  	_ =	shalt  }
0x41: {  	_ =	shalt  }
0x42: {  	_ =	shalt  }
0x43: {  	_ =	shalt  }
0x44: {  	_ =	shalt  }
0x45: {  	_ =	shalt  }
0x46: {  	_ =	shalt  }
0x47: {  	_ =	shalt  }
0x48: {  	_ =	shalt  }
0x49: {  	_ =	shalt  }
0x4a: {  	_ =	shalt  }
0x4b: {  	_ =	shalt  }
0x4c: {  	_ =	shalt  }
0x4d: {  	_ =	shalt  }
0x4e: {  	_ =	shalt  }
0x4f: {  	_ =	shalt  }
0x50: {  	_ =	shalt  }
0x51: {  	_ =	shalt  }
0x52: {  	_ =	shalt  }
0x53: {  	_ =	shalt  }
0x54: {  	_ =	shalt  }
0x55: {  	_ =	shalt  }
0x56: {  	_ =	shalt  }
0x57: {  	_ =	shalt  }
0x58: {  	_ =	shalt  }
0x59: {  	_ =	shalt  }
0x5a: {  	_ =	shalt  }
0x5b: {  	_ =	shalt  }
0x5c: {  	_ =	shalt  }
0x5d: {  	_ =	shalt  }
0x5e: {  	_ =	shalt  }
0x5f: {  	_ =	shalt  }
0x60: {  	_ =	shalt  }
0x61: {  	_ =	shalt  }
0x62: {  	_ =	shalt  }
0x63: {  	_ =	shalt  }
0x64: {  	_ =	shalt  }
0x65: {  	_ =	shalt  }
0x66: {  	_ =	shalt  }
0x67: {  	_ =	shalt  }
0x68: {  	_ =	shalt  }
0x69: {  	_ =	shalt  }
0x6a: {  	_ =	shalt  }
0x6b: {  	_ =	shalt  }
0x6c: {  	_ =	shalt  }
0x6d: {  	_ =	shalt  }
0x6e: {  	_ =	shalt  }
0x6f: {  	_ =	shalt  }
0x70: {  	_ =	shalt  }
0x71: {  	_ =	shalt  }
0x72: {  	_ =	shalt  }
0x73: {  	_ =	shalt  }
0x74: {  	_ =	shalt  }
0x75: {  	_ =	shalt  }
0x76: {  	_ =	shalt  }
0x77: {  	_ =	shalt  }
0x78: {  	_ =	shalt  }
0x79: {  	_ =	shalt  }
0x7a: {  	_ =	shalt  }
0x7b: {  	_ =	shalt  }
0x7c: {  	_ =	shalt  }
0x7d: {  	_ =	shalt  }
0x7e: {  	_ =	shalt  }
0x7f: {  	_ =	shalt  }
0x80: {  	_ =	shalt  }
0x81: {  	_ =	shalt  }
0x82: {  	_ =	shalt  }
0x83: {  	_ =	shalt  }
0x84: {  	_ =	shalt  }
0x85: {  	_ =	shalt  }
0x86: {  	_ =	shalt  }
0x87: {  	_ =	shalt  }
.Lfunc_end0:
.L_simem_size_0:
called_computation_lowered:
.L_overlay_start_0:
0x88: {  	s2 =	sld [smem:$0x3FD9]  }
0x89: {  	s3 =	sld [smem:$0x3FFE];
	_ =	sdelay $0x1  }
0x8a: {  	s1 =	srdreg.scid  }
0x8b: {  	s0 =	sand.u32 $0x1, s1  }
0x8c: {  	s17 =	sshll.u32 s0, $0xA;
	s2 =	sadd.s32 s3, s2  }
0x8d: {  	s2 =	sadd.s32 s2, s17  }
0x8e: {  	[smem:$0x3FC4] =	sst s2  }
0x8f: {  	_ = 	snop  }
0x90: {  	s2 =	sld [smem:$0x3FC9]  }
0x91: {  	s18 =	sld [smem:$0x3FD0];
	(tm) =	ssettm $0x1  }
0x92: {  	s4 =	sld [smem:$0x3FFB];
	_ =	sdelay $0x3  }
0x93: {  	_ =	strace s4  }
0x94: {  	s4 =	sld [smem:$0x3FFC];
	_ =	sdelay $0x3  }
0x95: {  	_ =	strace s4  }
0x96: {  	s4 =	sld [smem:$0x3FFD];
	_ =	sdelay $0x3  }
0x97: {  	_ =	strace s4  }
0x98: {  	_ =	strace $0x8FFFFFFF  }
0x99: {  	s19 =	sld [smem:$0x3FDB];
	_ =	sdelay $0x1  }
0x9a: {  	s5 =	simm.s32 $_scs_section_size  }
0x9b: {  	s6 =	simm.s32 $_size__tile_overlayer_lowered;
	s7 =	simm.s32 $_tile_overlayer_lowered  }
0x9c: {  	s22 =	simm.s32 $0x1BFF;
	s21 =	sshll.u32 s7, $0x1;
	s4 =	sadd.s32 s5, s19  }
0x9d: {  	s8 =	simm.s32 $0x0;
	s20 =	sshll.u32 s6, $0x1;
	s6 =	sadd.s32 s21, s4  }
0x9e: {  	[timem:s8], [sflag:s22] =	dma.local [hbm:s6], s20  }
0x9f: {  	_ =	swait.ge [sflag:s22], s20  }
0xa0: {  	s5 =	ssub.s32 $0x0, s20;
	[sflag:s22] =	ssyncset.done $0x0  }
0xa1: {  	[sflag:s22] =	ssyncadd.s32 s5;
	_ =	sdelay $0x1  }
0xa2: {  	s23 =	simm.s32 $0x1B8B  }
0xa3: {  	_ =	swait.ge [sflag:s23], $0x1  }
0xa4: {  	[sflag:s23] =	ssyncset.done $0x0  }
0xa5: {  	s25 =	simm.s32 $0x1B8E;
	s24 =	sld [smem:$0x3FFE];
	[sflag:s23] =	ssyncadd.s32 $0xFFFFFFFF  }
0xa6: {  	s26 =	simm.s32 $execute0_lowered;
	[smem:$0x3FD2] =	sst s25  }
0xa7: {  	s6 =	sshll.u32 s26, $0x1;
	_ =	strace $0x80000046;
	[dreg:$0x1] =	wrdreg $0xFFFFFFFF  }
0xa8: {  	s28 =	simm.s32 $_size_execute0_lowered;
	s4 =	sadd.s32 s4, s6;
	[dreg:$0x0] =	wrdreg $0x0  }
0xa9: {  	s6 =	sshll.u32 s28, $0x1;
	[dreg:$0x2] =	wrdreg s4  }
0xaa: {  	[dreg:$0x3] =	wrdreg s6  }
0xab: {  	[dreg:$0x4] =	wrdreg $0xC0  }
0xac: {  	_ =	task [dreg:s8], $0x5FFFF  }
0xad: {  	[dreg:$0x1] =	wrdreg $0xFFFFFFFF  }
0xae: {  	[dreg:$0x0] =	wrdreg $0x60  }
0xaf: {  	[dreg:$0x2] =	wrdreg s2  }
0xb0: {  	[dreg:$0x3] =	wrdreg s18  }
0xb1: {  	[dreg:$0x4] =	wrdreg s24  }
0xb2: {  	[dreg:$0x5] =	wrdreg $0x82000  }
0xb3: {  	[dreg:$0x6] =	wrdreg $0x9  }
0xb4: {  	_ =	task.clear_ibuf [dreg:s8], $0x7FFFF;
	_ =	strace $0x90000046  }
0xb5: {  	s29 =	simm.s32 $0x9;
	_ =	strace $0x80000048  }
0xb6: {  	_ =	swait.ge [sflag:s29], $0x1  }
0xb7: {  	[sflag:s29] =	ssyncadd.s32 $0xFFFFFFFF  }
0xb8: {  	_ =	strace $0x90000048  }
0xb9: {  	_ =	sfence  }
0xba: {  	s30 =	sld [smem:$0x0];
	_ =	sdelay $0x2  }
0xbb: {  	s31 =	sshll.u32 s1, $0xD;
	s1 =	sshrl.u32 s1, $0x2  }
0xbc: {  	s3 =	sand.u32 $0x4000, s31;
	s1 =	sadd.s32 s1, s30  }
0xbd: {  	s0 =	sor.u32 s3, s0;
	s1 =	sshll.u32 s1, $0x11  }
0xbe: {  	s0 =	sor.u32 s1, s0  }
0xbf: {  	s0 =	sadd.s32 $0x8F2B, s0  }
0xc0: {  	[sflag:s0] =	ssyncadd.remote.s32 $0x1  }
0xc1: {  	_ =	sfence.sel $0xFFFF  }
0xc2: {  	[dreg:$0x0] =	wrdreg $0xFFFFFFFF;
	(pc) =	sbr.abs _section_cstart, $3  }
0xc3: {  	[dreg:$0x1] =	wrdreg $0xFFFFFFFF  }
0xc4: {  	_ =	task.clear_ibuf [dreg:s8], $0x2FFFF;
	_ =	strace $0x9FFFFFFF  }
0xc5: {  	(tm) =	ssettm $0x7FFFFFFF  }
tec
execute0_lowered:
.L_overlay_start_1:
0x0: {  	(tag) =	ssettag $0x1  }
0x1: {  	s2 =	rddreg [dreg:$0x0]  }
0x2: {  	s6 =	rddreg [dreg:$0x1]  }
0x3: {  	s4 =	rddreg [dreg:$0x2]  }
0x4: {  	s1 =	rddreg [dreg:$0x3]  }
0x5: {  	s0 =	rddreg [dreg:$0x4];
	s5 =	srdreg.scid;
	s3 =	simm.s32 $0x0  }
0x6: {  	s7 =	stileid.u32;
	s17 =	simm.s32 $0x3;
	s5 =	sand.u32 $0x1, s5  }
0x7: {  	s15 =	simm.s32 $0x200;
	s9 =	sshll.u32 s5, $0x9;
	s5 =	ssub.s32 $0x2, s5  }
0x8: {  	s13 =	simm.s32 $0x2200;
	s18 =	simm.s32 $0x100;
	s10 =	sshrl.u32 s5, $0x1  }
0x9: {  	s19 =	simm.s32 $0x180;
	s12 =	simm.s32 $0x1;
	s5 =	ssub.s32 s5, s10  }
0xa: {  	s14 =	simm.s32 $0x40;
	p1 =	por $0x0, $0x0;
	s5 =	smax.u32 s5, $0x1  }
0xb: {  	[smem:$0x7FF] =	sst s3;
	s8 =	sshll.u32 s7, $0xA;
	s23 =	sadd.s32 $0xFFFFFFFF, s5  }
0xc: {  	p0 =	sne.s32 s7, $0x0;
	s7 =	simm.s32 $0x80;
	p2 =	sne.s32 s23, $0x0  }
.Ltmp0:
0xd: {  	_ =	strace $0x80000047;
	s8 =	sor.u32 s9, s8;
	(pc) =	sbr.rel @!p2 .LBB2_3-.Ltmp0, $4  }
0xe: {  	s20 =	sshrl.u32 @!p0 s1, $0x3;
	s9 =	sshll.u32 s8, $0x4;
	s8 =	sshrl.u32 s8, $0x3  }
0xf: {  	s10 =	simm.s32 $0x6200;
	s11 =	sadd.s32 s9, s4;
	s16 =	sadd.s32 s2, s8  }
0x10: {  	s9 =	sadd.s32 $0xA00, s11;
	s8 =	sadd.s32 $0x1200, s11;
	s4 =	sadd.s32 $0x1A00, s11  }
0x11: {  	s2 =	sadd.s32 $0x2200, s11;
	s11 =	simm.s32 $0x4200;
	s5 =	simm.s32 $0x2  }
0x12: {  	s21 =	simm.s32 @!p0 $0x1C03;
	s22 =	simm.s32 @!p0 $0x3  }
0x13: {  	[spmem:s20], [sflag:s21] =	dma.local @!p0 [hbm:s6], $0x1F40  }
0x14: {  	_ =	swait.ge @!p0 [sflag:s22], $0x1F40  }
0x15: {  	[sflag:s22] =	ssyncset.done @!p0 $0x0  }
0x16: {  	[sflag:s22] =	ssyncadd.s32 @!p0 $0xFFFFE0C0  }
0x17: {  	[tilespmem:s3], [sflag:$0x3] =	stream.linear.gather [hbm4b:s16+s3], $0x200, $0x38;
	[tilespmem:$0x91A0] =	vst v63  }
0x18: {  	_ =	swait.ge [sflag:s17], $0x200  }
0x19: {  	[sflag:s17] =	ssyncset.done $0x0  }
0x1a: {  	[sflag:s17] =	ssyncadd.s32 $0xFFFFFE00  }
0x1b: {  	[bflag:$0x0] =	sbarrier.arrive $0xFFFF  }
0x1c: {  	[tilespmem:s15], [sflag:$0x1] =	stream.indirect.gather [spmem:s1], $0x40, s3, s7, $0xb8;
	[tilespmem:$0x91A0] =	vst v63  }
0x1d: {  	_ = 	snop  }
0x1e: {  	[tilespmem:s13], [sflag:$0x1] =	stream.indirect.gather [spmem:s1], $0x40, s7, s7, $0xb8;
	[tilespmem:$0x91A0] =	vst v63  }
0x1f: {  	_ = 	snop  }
0x20: {  	[tilespmem:s11], [sflag:$0x1] =	stream.indirect.gather [spmem:s1], $0x40, s18, s7, $0xb8;
	[tilespmem:$0x91A0] =	vst v63  }
0x21: {  	_ = 	snop  }
0x22: {  	[tilespmem:s10], [sflag:$0x1] =	stream.indirect.gather [spmem:s1], $0x40, s19, s7, $0xb8;
	[tilespmem:$0x91A0] =	vst v63  }
0x23: {  	_ =	swait.ge [sflag:s12], $0x2000  }
0x24: {  	[sflag:s12] =	ssyncset.done $0x0  }
0x25: {  	[sflag:s12] =	ssyncadd.s32 $0xFFFFE000  }
0x26: {  	[hbm4b:s9+s14] =	stream.strided.scatter [tilespmem:s15], [sflag:$0x2], $0x2000, s7, s14, $0x38;
	[tilespmem:$0x91A0] =	vst v63  }
0x27: {  	_ =	swait.ge [sflag:s12], $0x2000  }
0x28: {  	[sflag:s12] =	ssyncset.done $0x0  }
0x29: {  	[sflag:s12] =	ssyncadd.s32 $0xFFFFE000  }
0x2a: {  	[hbm4b:s8+s14] =	stream.strided.scatter [tilespmem:s13], [sflag:$0x2], $0x2000, s7, s14, $0x38;
	[tilespmem:$0x91A0] =	vst v63  }
0x2b: {  	_ =	swait.ge [sflag:s12], $0x2000  }
0x2c: {  	[sflag:s12] =	ssyncset.done $0x0  }
0x2d: {  	[sflag:s12] =	ssyncadd.s32 $0xFFFFE000  }
0x2e: {  	[hbm4b:s4+s14] =	stream.strided.scatter [tilespmem:s11], [sflag:$0x2], $0x2000, s7, s14, $0x38;
	[tilespmem:$0x91A0] =	vst v63  }
0x2f: {  	_ =	swait.ge [sflag:s12], $0x2000  }
0x30: {  	[sflag:s12] =	ssyncset.done $0x0  }
0x31: {  	[sflag:s12] =	ssyncadd.s32 $0xFFFFE000  }
0x32: {  	[hbm4b:s2+s14] =	stream.strided.scatter [tilespmem:s10], [sflag:$0x2], $0x2000, s7, s14, $0x38;
	[tilespmem:$0x91A0] =	vst v63  }
0x33: {  	_ =	swait.ge [sflag:s5], $0x2000  }
0x34: {  	[sflag:s5] =	ssyncset.done $0x0  }
0x35: {  	[sflag:s5] =	ssyncadd.s32 $0xFFFFE000  }
0x36: {  	_ =	swait.ge [sflag:s5], $0x2000  }
0x37: {  	s23 =	sadd.s32 $0xFFFFFFFF, s23;
	[sflag:s5] =	ssyncset.done $0x0  }
0x38: {  	p2 =	sne.s32 s23, $0x0;
	[sflag:s5] =	ssyncadd.s32 $0xFFFFE000  }
.Ltmp1:
0x39: {  	_ =	swait.ge [sflag:s5], $0x2000;
	(pc) =	sbr.rel @!p2 .LBB2_3-.Ltmp1, $4  }
0x3a: {  	[sflag:s5] =	ssyncset.done $0x0  }
0x3b: {  	[sflag:s5] =	ssyncadd.s32 $0xFFFFE000  }
0x3c: {  	_ =	swait.ge [sflag:s5], $0x2000  }
0x3d: {  	p1 =	por $0x1, $0x1;
	[sflag:s5] =	ssyncset.done $0x0  }
.LBB2_2:
0x3e: {  	[sflag:s5] =	ssyncadd.s32 $0xFFFFE000  }
0x3f: {  	[spmem:s20], [sflag:s21] =	dma.local @!p0 [hbm:s6], $0x1F40  }
0x40: {  	s23 =	sadd.s32 $0xFFFFFFFF, s23;
	_ =	swait.ge @!p0 [sflag:s22], $0x1F40  }
0x41: {  	p2 =	sne.s32 s23, $0x0;
	[sflag:s22] =	ssyncset.done @!p0 $0x0  }
0x42: {  	[sflag:s22] =	ssyncadd.s32 @!p0 $0xFFFFE0C0  }
0x43: {  	[tilespmem:s3], [sflag:$0x3] =	stream.linear.gather [hbm4b:s16+s3], $0x200, $0x38;
	[tilespmem:$0x91A0] =	vst v63  }
0x44: {  	_ =	swait.ge [sflag:s17], $0x200  }
0x45: {  	[sflag:s17] =	ssyncset.done $0x0  }
0x46: {  	[sflag:s17] =	ssyncadd.s32 $0xFFFFFE00  }
0x47: {  	[bflag:$0x0] =	sbarrier.arrive $0xFFFF  }
0x48: {  	[tilespmem:s15], [sflag:$0x1] =	stream.indirect.gather [spmem:s1], $0x40, s3, s7, $0xb8;
	[tilespmem:$0x91A0] =	vst v63  }
0x49: {  	_ = 	snop  }
0x4a: {  	[tilespmem:s13], [sflag:$0x1] =	stream.indirect.gather [spmem:s1], $0x40, s7, s7, $0xb8;
	[tilespmem:$0x91A0] =	vst v63  }
0x4b: {  	_ = 	snop  }
0x4c: {  	[tilespmem:s11], [sflag:$0x1] =	stream.indirect.gather [spmem:s1], $0x40, s18, s7, $0xb8;
	[tilespmem:$0x91A0] =	vst v63  }
0x4d: {  	_ = 	snop  }
0x4e: {  	[tilespmem:s10], [sflag:$0x1] =	stream.indirect.gather [spmem:s1], $0x40, s19, s7, $0xb8;
	[tilespmem:$0x91A0] =	vst v63  }
0x4f: {  	_ =	swait.ge [sflag:s12], $0x2000  }
0x50: {  	[sflag:s12] =	ssyncset.done $0x0  }
0x51: {  	[sflag:s12] =	ssyncadd.s32 $0xFFFFE000  }
0x52: {  	[hbm4b:s9+s14] =	stream.strided.scatter [tilespmem:s15], [sflag:$0x2], $0x2000, s7, s14, $0x38;
	[tilespmem:$0x91A0] =	vst v63  }
0x53: {  	_ =	swait.ge [sflag:s12], $0x2000  }
0x54: {  	[sflag:s12] =	ssyncset.done $0x0  }
0x55: {  	[sflag:s12] =	ssyncadd.s32 $0xFFFFE000  }
0x56: {  	[hbm4b:s8+s14] =	stream.strided.scatter [tilespmem:s13], [sflag:$0x2], $0x2000, s7, s14, $0x38;
	[tilespmem:$0x91A0] =	vst v63  }
0x57: {  	_ =	swait.ge [sflag:s12], $0x2000  }
0x58: {  	[sflag:s12] =	ssyncset.done $0x0  }
0x59: {  	[sflag:s12] =	ssyncadd.s32 $0xFFFFE000  }
0x5a: {  	[hbm4b:s4+s14] =	stream.strided.scatter [tilespmem:s11], [sflag:$0x2], $0x2000, s7, s14, $0x38;
	[tilespmem:$0x91A0] =	vst v63  }
0x5b: {  	_ =	swait.ge [sflag:s12], $0x2000  }
0x5c: {  	[sflag:s12] =	ssyncset.done $0x0  }
0x5d: {  	[sflag:s12] =	ssyncadd.s32 $0xFFFFE000  }
0x5e: {  	[hbm4b:s2+s14] =	stream.strided.scatter [tilespmem:s10], [sflag:$0x2], $0x2000, s7, s14, $0x38;
	[tilespmem:$0x91A0] =	vst v63  }
0x5f: {  	_ =	swait.ge [sflag:s5], $0x2000  }
0x60: {  	[sflag:s5] =	ssyncset.done $0x0  }
0x61: {  	[sflag:s5] =	ssyncadd.s32 $0xFFFFE000  }
0x62: {  	_ =	swait.ge [sflag:s5], $0x2000  }
0x63: {  	[sflag:s5] =	ssyncset.done $0x0  }
0x64: {  	[sflag:s5] =	ssyncadd.s32 $0xFFFFE000  }
.Ltmp2:
0x65: {  	_ =	swait.ge [sflag:s5], $0x2000;
	(pc) =	sbr.rel @p2 .LBB2_2-.Ltmp2, $4  }
0x66: {  	[sflag:s5] =	ssyncset.done $0x0  }
0x67: {  	[sflag:s5] =	ssyncadd.s32 $0xFFFFE000  }
0x68: {  	_ =	swait.ge [sflag:s5], $0x2000  }
0x69: {  	[sflag:s5] =	ssyncset.done $0x0  }
.LBB2_3:
0x6a: {  	s21 =	simm.s32 @!p0 $0x1C03;
	s22 =	simm.s32 @!p0 $0x3;
	[sflag:s5] =	ssyncadd.s32 @p1 $0xFFFFE000  }
0x6b: {  	[spmem:s20], [sflag:s21] =	dma.local @!p0 [hbm:s6], $0x1F40  }
0x6c: {  	_ =	swait.ge @!p0 [sflag:s22], $0x1F40  }
0x6d: {  	[sflag:s22] =	ssyncset.done @!p0 $0x0  }
0x6e: {  	[sflag:s22] =	ssyncadd.s32 @!p0 $0xFFFFE0C0  }
0x6f: {  	[tilespmem:s3], [sflag:$0x3] =	stream.linear.gather [hbm4b:s16+s3], $0x200, $0x38;
	[tilespmem:$0x91A0] =	vst v63  }
0x70: {  	_ =	swait.ge [sflag:s17], $0x200  }
0x71: {  	[sflag:s17] =	ssyncset.done $0x0  }
0x72: {  	[sflag:s17] =	ssyncadd.s32 $0xFFFFFE00  }
0x73: {  	[bflag:$0x0] =	sbarrier.arrive $0xFFFF  }
0x74: {  	[tilespmem:s15], [sflag:$0x1] =	stream.indirect.gather [spmem:s1], $0x40, s3, s7, $0xb8;
	[tilespmem:$0x91A0] =	vst v63  }
0x75: {  	_ = 	snop  }
0x76: {  	[tilespmem:s13], [sflag:$0x1] =	stream.indirect.gather [spmem:s1], $0x40, s7, s7, $0xb8;
	[tilespmem:$0x91A0] =	vst v63  }
0x77: {  	_ = 	snop  }
0x78: {  	[tilespmem:s11], [sflag:$0x1] =	stream.indirect.gather [spmem:s1], $0x40, s18, s7, $0xb8;
	[tilespmem:$0x91A0] =	vst v63  }
0x79: {  	_ = 	snop  }
0x7a: {  	[tilespmem:s10], [sflag:$0x1] =	stream.indirect.gather [spmem:s1], $0x40, s19, s7, $0xb8;
	[tilespmem:$0x91A0] =	vst v63  }
0x7b: {  	_ =	swait.ge [sflag:s12], $0x2000  }
0x7c: {  	[sflag:s12] =	ssyncset.done $0x0  }
0x7d: {  	[sflag:s12] =	ssyncadd.s32 $0xFFFFE000  }
0x7e: {  	[hbm4b:s9+s14] =	stream.strided.scatter [tilespmem:s15], [sflag:$0x2], $0x2000, s7, s14, $0x38;
	[tilespmem:$0x91A0] =	vst v63  }
0x7f: {  	_ =	swait.ge [sflag:s12], $0x2000  }
0x80: {  	[sflag:s12] =	ssyncset.done $0x0  }
0x81: {  	[sflag:s12] =	ssyncadd.s32 $0xFFFFE000  }
0x82: {  	[hbm4b:s8+s14] =	stream.strided.scatter [tilespmem:s13], [sflag:$0x2], $0x2000, s7, s14, $0x38;
	[tilespmem:$0x91A0] =	vst v63  }
0x83: {  	_ =	swait.ge [sflag:s12], $0x2000  }
0x84: {  	[sflag:s12] =	ssyncset.done $0x0  }
0x85: {  	[sflag:s12] =	ssyncadd.s32 $0xFFFFE000  }
0x86: {  	[hbm4b:s4+s14] =	stream.strided.scatter [tilespmem:s11], [sflag:$0x2], $0x2000, s7, s14, $0x38;
	[tilespmem:$0x91A0] =	vst v63  }
0x87: {  	_ =	swait.ge [sflag:s12], $0x2000  }
0x88: {  	[sflag:s12] =	ssyncset.done $0x0  }
0x89: {  	[sflag:s12] =	ssyncadd.s32 $0xFFFFE000  }
0x8a: {  	[hbm4b:s2+s14] =	stream.strided.scatter [tilespmem:s10], [sflag:$0x2], $0x2000, s7, s14, $0x38;
	[tilespmem:$0x91A0] =	vst v63  }
0x8b: {  	_ =	swait.ge [sflag:s5], $0x2000  }
0x8c: {  	[sflag:s5] =	ssyncset.done $0x0  }
0x8d: {  	[sflag:s5] =	ssyncadd.s32 $0xFFFFE000  }
0x8e: {  	_ =	swait.ge [sflag:s5], $0x2000  }
0x8f: {  	[sflag:s5] =	ssyncset.done $0x0  }
0x90: {  	[sflag:s5] =	ssyncadd.s32 $0xFFFFE000  }
0x91: {  	_ =	swait.ge [sflag:s5], $0x2000  }
0x92: {  	[sflag:s5] =	ssyncset.done $0x0  }
0x93: {  	[sflag:s5] =	ssyncadd.s32 $0xFFFFE000  }
0x94: {  	_ =	swait.ge [sflag:s5], $0x2000  }
0x95: {  	[sflag:s5] =	ssyncset.done $0x0  }
0x96: {  	[sflag:s5] =	ssyncadd.s32 $0xFFFFE000  }
0x97: {  	_ =	sfence.sel $0x180000  }
0x98: {  	[bflag:$0x0] =	sbarrier.arrive $0xFFFF  }
0x99: {  	_ =	strace $0x90000047  }
0x9a: {  	s0 =	sadd.s32 @!p0 $0x100000, s0;
	[bflag:$0x2] =	sbarrier.arrive $0xFFFF  }
0x9b: {  	[sflag:s0] =	ssyncadd.tile.s32 @!p0 $0x1;
	_ =	shalt  }
.Lfunc_end2:
_tile_overlayer_lowered:
.L_overlay_start_2:
0x9c: {  	(tag) =	ssettag $0x2  }
0x9d: {  	s0 =	rddreg [dreg:$0x0];
	s2 =	stileid.u32  }
0x9e: {  	s1 =	rddreg [dreg:$0x1];
	p0 =	sne.s32 s2, $0x0  }
0x9f: {  	s3 =	rddreg [dreg:$0x2];
	[bflag:$0x3] =	sbarrier.arrive $0xFFFF;
	s2 =	simm.s32 @!p0 $0x1C03  }
0xa0: {  	[timem:s3], [sflag:s2] =	dma.local @!p0 [hbm:s0], s1  }
0xa1: {  	s0 =	simm.s32 @!p0 $0x3  }
0xa2: {  	_ =	swait.ge @!p0 [sflag:s0], s1  }
0xa3: {  	s1 =	ssub.s32 @!p0 $0x0, s1;
	[sflag:s0] =	ssyncset.done @!p0 $0x0  }
0xa4: {  	[sflag:s0] =	ssyncadd.s32 @!p0 s1  }
0xa5: {  	[bflag:$0x3] =	sbarrier.arrive $0xFFFF  }
0xa6: {  	_ =	shalt  }

</sc_bundles>
